<compile_context>
chip_gen: v7x
topology: tpu7x:2x2x1
jax: 0.10.2.dev20260603
libtpu: 0.0.44.dev20260713+nightly
codegen_flags: <defaults>
</compile_context>

<pallas_src>
import functools

import jax
import jax.numpy as jnp
from jax import lax
from jax.experimental import pallas as pl
from jax.experimental.pallas import tpu as pltpu
from jax.experimental.pallas import tpu_sc as plsc

_BLOCK_ROWS = 2048
_R_SC = 4096
_NW = 32
_CH_ROWS = 64


def _avg_kernel(x1_ref, x2_ref, o_ref):
    o_ref[...] = (x1_ref[...] + x2_ref[...]) * 0.5


def _sc_body(x1_hbm, x2_hbm, o_hbm, a_v, b_v, sem1, sem2):
    wid = lax.axis_index("s") * 2 + lax.axis_index("c")
    rows = x1_hbm.shape[0]
    r_tc = rows - _R_SC
    per_w = _R_SC // _NW
    n_chunks = per_w // _CH_ROWS

    def chunk(j, carry):
        o_off = wid * per_w + j * _CH_ROWS
        i_off = r_tc + o_off
        cp1 = pltpu.async_copy(x1_hbm.at[pl.ds(i_off, _CH_ROWS)], a_v, sem1)
        cp2 = pltpu.async_copy(x2_hbm.at[pl.ds(i_off, _CH_ROWS)], b_v, sem2)
        cp1.wait()
        cp2.wait()

        def row(r, c2):
            def vec(i, c3):
                p = i * 16
                a_v[r, pl.ds(p, 16)] = (
                    a_v[r, pl.ds(p, 16)] + b_v[r, pl.ds(p, 16)]
                ) * 0.5
                return c3

            lax.fori_loop(0, a_v.shape[1] // 16, vec, 0)
            return c2

        lax.fori_loop(0, _CH_ROWS, row, 0)
        pltpu.sync_copy(a_v, o_hbm.at[pl.ds(o_off, _CH_ROWS)])
        return carry

    lax.fori_loop(0, n_chunks, chunk, 0)


def kernel(x_1, x_2):
    rows, cols = x_1.shape
    r_tc = rows - _R_SC

    mesh = plsc.VectorSubcoreMesh(core_axis_name="c", subcore_axis_name="s")
    sc_call = functools.partial(
        pl.kernel,
        mesh=mesh,
        out_type=jax.ShapeDtypeStruct((_R_SC, cols), jnp.float32),
        scratch_types=[
            pltpu.VMEM((_CH_ROWS, cols), jnp.float32),
            pltpu.VMEM((_CH_ROWS, cols), jnp.float32),
            pltpu.SemaphoreType.DMA,
            pltpu.SemaphoreType.DMA,
        ],
    )(_sc_body)
    sc_out = sc_call(x_1, x_2)

    spec = pl.BlockSpec((_BLOCK_ROWS, cols), lambda i: (i, 0))
    tc_out = pl.pallas_call(
        _avg_kernel,
        grid=(r_tc // _BLOCK_ROWS,),
        in_specs=[spec, spec],
        out_specs=spec,
        out_shape=jax.ShapeDtypeStruct((rows, cols), x_1.dtype),
        compiler_params=pltpu.CompilerParams(
            dimension_semantics=("arbitrary",),
        ),
    )(x_1, x_2)

    return lax.dynamic_update_slice(tc_out, sc_out, (r_tc, 0))

# --- scband reference (transcript-rebuilt; emitter-appended) ---
"""Pipeline reference for scband-sparse-aggregator-10926396801377 (READ-ONLY COPY).

The authoritative reference and input builder live on the scoring server;
editing this copy changes nothing except your own understanding.
"""

import jax, jax.numpy as jnp
import numpy as np

TOTAL_TOKENS = 32768
CHANNELS = 512

def setup_inputs(seed: int = 0) -> dict:
    key = jax.random.key(seed)
    k1, k2 = jax.random.split(key, 2)
    x_1 = jax.random.normal(k1, (TOTAL_TOKENS, CHANNELS), dtype=jnp.float32)
    x_2 = jax.random.normal(k2, (TOTAL_TOKENS, CHANNELS), dtype=jnp.float32)
    return {"x_1": x_1, "x_2": x_2}

def reference(x_1, x_2):
    # SparseAggregator.forward with two dense (non-Packed) tensors:
    # falls straight through to `self.aggregator(x_1, x_2)`.
    # aggregator_factory == 'average' (quantnn AverageAggregatorFactory):
    # the aggregator block averages the two equally-shaped input streams,
    # producing an output with the same number of channels.
    return (x_1 + x_2) / 2.0

if __name__ == "__main__":
    import jax
    _d = setup_inputs()
    print(jax.jit(kernel)(*tuple(_d.values())))

</pallas_src>

<mosaic_0001>
#map = affine_map<(d0, d1) -> (0, 0)>
module attributes {stable_mosaic.version = 14 : i64} {
  func.func @_sc_body(%arg0: i32, %arg1: i32, %arg2: memref<32768x512xf32, #tpu.memory_space<hbm>>, %arg3: memref<32768x512xf32, #tpu.memory_space<hbm>>, %arg4: memref<4096x512xf32, #tpu.memory_space<hbm>>, %arg5: memref<64x512xf32, #tpu.memory_space<vmem>>, %arg6: memref<64x512xf32, #tpu.memory_space<vmem>>, %arg7: memref<!tpu.dma_semaphore, #tpu.memory_space<semaphore_mem>>, %arg8: memref<!tpu.dma_semaphore, #tpu.memory_space<semaphore_mem>>) attributes {dimension_semantics = [#tpu.dimension_semantics<core_parallel>, #tpu.dimension_semantics<subcore_parallel>], iteration_bounds = array<i64: 2, 16>, scalar_prefetch = 0 : i64, scratch_operands = 4 : i64, tpu.core_type = #tpu.core_type<sc_vector_subcore>, window_params = [{transform_indices = #map}, {transform_indices = #map}, {transform_indices = #map}]} {
    %mul3A = arith.constant 2 : i32
    %mul3A_0 = arith.muli %arg1, %mul3A : i32
    %add3A = arith.addi %mul3A_0, %arg0 : i32
    %scan3A = arith.constant 0 : i32
    %scan3A_1 = arith.constant 0 : i32
    %scan3A_2 = arith.constant 2 : i32
    %scan3A_3 = arith.addi %scan3A_1, %scan3A_2 : i32
    %scan3A_4 = arith.constant 1 : i32
    scf.for %scan3A_6 = %scan3A_1 to %scan3A_3 step %scan3A_4  : i32 {
      %mul3A_7 = arith.constant 128 : i32
      %mul3A_8 = arith.muli %add3A, %mul3A_7 : i32
      %mul3A_9 = arith.constant 64 : i32
      %mul3A_10 = arith.muli %scan3A_6, %mul3A_9 : i32
      %add3A_11 = arith.addi %mul3A_8, %mul3A_10 : i32
      %add3A_12 = arith.constant 28672 : i32
      %add3A_13 = arith.addi %add3A_12, %add3A_11 : i32
      %dma_start3A = arith.constant 0 : i32
      %dma_start3A_14 = tpu.memref_slice %arg2[%add3A_13, %dma_start3A] : memref<32768x512xf32, #tpu.memory_space<hbm>> -> memref<64x512xf32, #tpu.memory_space<hbm>>
      %dma_start3A_15 = arith.constant 0 : i32
      %dma_start3A_16 = tpu.memref_slice %arg2[%add3A_13, %dma_start3A_15] : memref<32768x512xf32, #tpu.memory_space<hbm>> -> memref<64x512xf32, #tpu.memory_space<hbm>>
      tpu.enqueue_dma source(%dma_start3A_16 : memref<64x512xf32, #tpu.memory_space<hbm>>) target(%arg5 : memref<64x512xf32, #tpu.memory_space<vmem>>) target_semaphore(%arg7 : memref<!tpu.dma_semaphore, #tpu.memory_space<semaphore_mem>>)
      %dma_start3A_17 = arith.constant 0 : i32
      %dma_start3A_18 = tpu.memref_slice %arg3[%add3A_13, %dma_start3A_17] : memref<32768x512xf32, #tpu.memory_space<hbm>> -> memref<64x512xf32, #tpu.memory_space<hbm>>
      %dma_start3A_19 = arith.constant 0 : i32
      %dma_start3A_20 = tpu.memref_slice %arg3[%add3A_13, %dma_start3A_19] : memref<32768x512xf32, #tpu.memory_space<hbm>> -> memref<64x512xf32, #tpu.memory_space<hbm>>
      tpu.enqueue_dma source(%dma_start3A_20 : memref<64x512xf32, #tpu.memory_space<hbm>>) target(%arg6 : memref<64x512xf32, #tpu.memory_space<vmem>>) target_semaphore(%arg8 : memref<!tpu.dma_semaphore, #tpu.memory_space<semaphore_mem>>)
      %dma_wait3A = arith.constant 0 : i32
      %dma_wait3A_21 = tpu.memref_slice %arg2[%add3A_13, %dma_wait3A] : memref<32768x512xf32, #tpu.memory_space<hbm>> -> memref<64x512xf32, #tpu.memory_space<hbm>>
      %dma_wait3A_22 = arith.constant 0 : i32
      %dma_wait3A_23 = tpu.memref_slice %arg2[%add3A_13, %dma_wait3A_22] : memref<32768x512xf32, #tpu.memory_space<hbm>> -> memref<64x512xf32, #tpu.memory_space<hbm>>
      tpu.wait_dma2 semaphore(%arg7 : memref<!tpu.dma_semaphore, #tpu.memory_space<semaphore_mem>>) src(%dma_wait3A_23 : memref<64x512xf32, #tpu.memory_space<hbm>>) dst(%arg5 : memref<64x512xf32, #tpu.memory_space<vmem>>)
      %dma_wait3A_24 = arith.constant 0 : i32
      %dma_wait3A_25 = tpu.memref_slice %arg3[%add3A_13, %dma_wait3A_24] : memref<32768x512xf32, #tpu.memory_space<hbm>> -> memref<64x512xf32, #tpu.memory_space<hbm>>
      %dma_wait3A_26 = arith.constant 0 : i32
      %dma_wait3A_27 = tpu.memref_slice %arg3[%add3A_13, %dma_wait3A_26] : memref<32768x512xf32, #tpu.memory_space<hbm>> -> memref<64x512xf32, #tpu.memory_space<hbm>>
      tpu.wait_dma2 semaphore(%arg8 : memref<!tpu.dma_semaphore, #tpu.memory_space<semaphore_mem>>) src(%dma_wait3A_27 : memref<64x512xf32, #tpu.memory_space<hbm>>) dst(%arg6 : memref<64x512xf32, #tpu.memory_space<vmem>>)
      %scan3A_28 = arith.constant 0 : i32
      %scan3A_29 = arith.constant 0 : i32
      %scan3A_30 = arith.constant 64 : i32
      %scan3A_31 = arith.addi %scan3A_29, %scan3A_30 : i32
      %scan3A_32 = arith.constant 1 : i32
      scf.for %scan3A_34 = %scan3A_29 to %scan3A_31 step %scan3A_32  : i32 {
        %scan3A_35 = arith.constant 0 : i32
        %scan3A_36 = arith.constant 0 : i32
        %scan3A_37 = arith.constant 32 : i32
        %scan3A_38 = arith.addi %scan3A_36, %scan3A_37 : i32
        %scan3A_39 = arith.constant 1 : i32
        scf.for %scan3A_41 = %scan3A_36 to %scan3A_38 step %scan3A_39  : i32 {
          %mul3A_42 = arith.constant 16 : i32
          %mul3A_43 = arith.muli %scan3A_41, %mul3A_42 : i32
          %get3A = arith.index_cast %scan3A_34 : i32 to index
          %get3A_44 = arith.index_cast %mul3A_43 : i32 to index
          %get3A_45 = tpu.vector_load %arg5[%get3A, %get3A_44] {strides = array<i32>} : memref<64x512xf32, #tpu.memory_space<vmem>>, vector<1x16xf32>,
          %get3A_46 = vector.shape_cast %get3A_45 : vector<1x16xf32> to vector<16xf32>
          %get3A_47 = arith.index_cast %scan3A_34 : i32 to index
          %get3A_48 = arith.index_cast %mul3A_43 : i32 to index
          %get3A_49 = tpu.vector_load %arg6[%get3A_47, %get3A_48] {strides = array<i32>} : memref<64x512xf32, #tpu.memory_space<vmem>>, vector<1x16xf32>,
          %get3A_50 = vector.shape_cast %get3A_49 : vector<1x16xf32> to vector<16xf32>
          %add3A_51 = arith.addf %get3A_46, %get3A_50 : vector<16xf32>
          %mul3A_52 = arith.constant 5.000000e-01 : f32
          %mul3A_53 = vector.broadcast %mul3A_52 : f32 to vector<16xf32>
          %mul3A_54 = arith.mulf %add3A_51, %mul3A_53 : vector<16xf32>
          %swap3A = arith.index_cast %scan3A_34 : i32 to index
          %swap3A_55 = arith.index_cast %mul3A_43 : i32 to index
          %swap3A_56 = tpu.vector_load %arg5[%swap3A, %swap3A_55] {strides = array<i32>} : memref<64x512xf32, #tpu.memory_space<vmem>>, vector<1x16xf32>,
          %swap3A_57 = vector.shape_cast %swap3A_56 : vector<1x16xf32> to vector<16xf32>
          %swap3A_58 = vector.shape_cast %mul3A_54 : vector<16xf32> to vector<1x16xf32>
          tpu.vector_store %arg5[%swap3A, %swap3A_55], %swap3A_58 {strides = array<i32>} : memref<64x512xf32, #tpu.memory_space<vmem>>, vector<1x16xf32>,
        }
        %scan3A_40 = arith.constant 32 : i32
      }
      %scan3A_33 = arith.constant 64 : i32
      "tpu.region"() ({
        %run_scoped3A = tpu.sem_alloc : memref<!tpu.dma_semaphore, #tpu.memory_space<semaphore_mem>>
        %dma_start3A_34 = arith.constant 0 : i32
        %dma_start3A_35 = tpu.memref_slice %arg4[%add3A_11, %dma_start3A_34] : memref<4096x512xf32, #tpu.memory_space<hbm>> -> memref<64x512xf32, #tpu.memory_space<hbm>>
        %dma_start3A_36 = arith.constant 0 : i32
        %dma_start3A_37 = tpu.memref_slice %arg4[%add3A_11, %dma_start3A_36] : memref<4096x512xf32, #tpu.memory_space<hbm>> -> memref<64x512xf32, #tpu.memory_space<hbm>>
        tpu.enqueue_dma source(%arg5 : memref<64x512xf32, #tpu.memory_space<vmem>>) target(%dma_start3A_37 : memref<64x512xf32, #tpu.memory_space<hbm>>) target_semaphore(%run_scoped3A : memref<!tpu.dma_semaphore, #tpu.memory_space<semaphore_mem>>)
        %dma_wait3A_38 = arith.constant 0 : i32
        %dma_wait3A_39 = tpu.memref_slice %arg4[%add3A_11, %dma_wait3A_38] : memref<4096x512xf32, #tpu.memory_space<hbm>> -> memref<64x512xf32, #tpu.memory_space<hbm>>
        %dma_wait3A_40 = arith.constant 0 : i32
        %dma_wait3A_41 = tpu.memref_slice %arg4[%add3A_11, %dma_wait3A_40] : memref<4096x512xf32, #tpu.memory_space<hbm>> -> memref<64x512xf32, #tpu.memory_space<hbm>>
        tpu.wait_dma2 semaphore(%run_scoped3A : memref<!tpu.dma_semaphore, #tpu.memory_space<semaphore_mem>>) src(%arg5 : memref<64x512xf32, #tpu.memory_space<vmem>>) dst(%dma_wait3A_41 : memref<64x512xf32, #tpu.memory_space<hbm>>)
        tpu.yield
      }) : () -> ()
    }
    %scan3A_5 = arith.constant 2 : i32
    return
  }
}

module attributes {stable_mosaic.version = 14 : i64} {
  func.func @_avg_kernel(%arg0: i32, %arg1: memref<2048x512xf32, #tpu.memory_space<vmem>>, %arg2: memref<2048x512xf32, #tpu.memory_space<vmem>>, %arg3: memref<2048x512xf32, #tpu.memory_space<vmem>>) attributes {dimension_semantics = [#tpu.dimension_semantics<arbitrary>], iteration_bounds = array<i64: 14>, scalar_prefetch = 0 : i64, scratch_operands = 0 : i64, tpu.core_type = #tpu.core_type<tc>, window_params = [{transform_indices = @transform_0, window_bounds = array<i64: 2048, 512>}, {transform_indices = @transform_1, window_bounds = array<i64: 2048, 512>}, {transform_indices = @transform_2, window_bounds = array<i64: 2048, 512>}]} {
    %get3A = arith.constant 0 : index
    %get3A_0 = arith.constant 0 : index
    %get3A_1 = vector.load %arg1[%get3A, %get3A_0] : memref<2048x512xf32, #tpu.memory_space<vmem>>, vector<2048x512xf32>
    %get3A_2 = arith.constant 0 : index
    %get3A_3 = arith.constant 0 : index
    %get3A_4 = vector.load %arg2[%get3A_2, %get3A_3] : memref<2048x512xf32, #tpu.memory_space<vmem>>, vector<2048x512xf32>
    %add3A = arith.addf %get3A_1, %get3A_4 : vector<2048x512xf32>
    %mul3A = arith.constant 5.000000e-01 : f32
    %mul3A_5 = vector.broadcast %mul3A : f32 to vector<2048x512xf32>
    %mul3A_6 = arith.mulf %add3A, %mul3A_5 : vector<2048x512xf32>
    %swap3A = arith.constant 0 : index
    %swap3A_7 = arith.constant 0 : index
    %swap3A_8 = vector.load %arg3[%swap3A, %swap3A_7] : memref<2048x512xf32, #tpu.memory_space<vmem>>, vector<2048x512xf32>
    tpu.vector_store %arg3[%swap3A, %swap3A_7], %mul3A_6 {strides = array<i32>} : memref<2048x512xf32, #tpu.memory_space<vmem>>, vector<2048x512xf32>,
    return
  }
  func.func @transform_0(%arg0: i32) -> (i32, i32) {
    %c0_i32 = arith.constant 0 : i32
    %c0_i32_0 = arith.constant 0 : i32
    return %arg0, %c0_i32 : i32, i32
  }
  func.func @transform_1(%arg0: i32) -> (i32, i32) {
    %c0_i32 = arith.constant 0 : i32
    %c0_i32_0 = arith.constant 0 : i32
    return %arg0, %c0_i32 : i32, i32
  }
  func.func @transform_2(%arg0: i32) -> (i32, i32) {
    %c0_i32 = arith.constant 0 : i32
    %c0_i32_0 = arith.constant 0 : i32
    return %arg0, %c0_i32 : i32, i32
  }
}

</mosaic_0001>

<sc_bundles>
// kernel: kernel.4.cloned.1.call-start
scs
__scs_entry_jumppad:
0x0: {  	(pc) =	sbr.rel $0x88, $3  }
0x1: {  	(tag) =	ssettag $0x0;
	lr =	simm.s32 $0x1  }
0x2: {  	[smem:$0x3F9F] =	sst lr;
	_ =	strace $0xD0000000  }
0x3: {  	_ = 	snop  }
0x4: {  	_ = 	snop  }
0x5: {  	_ = 	snop  }
0x6: {  	_ = 	snop  }
0x7: {  	_ = 	snop  }
__scs_overlays_trampoline_lowered:
0x8: {  	[smem:$0x3FAE] =	sst s0  }
0x9: {  	[smem:$0x3FAF] =	sst s1  }
0xa: {  	[smem:$0x3FB0] =	sst s2  }
0xb: {  	[smem:$0x3FB1] =	sst s3  }
0xc: {  	[smem:$0x3FB2] =	sst s4  }
0xd: {  	[smem:$0x3FB3] =	sst s5  }
0xe: {  	[smem:$0x3FB4] =	sst s6  }
0xf: {  	[smem:$0x3FB5] =	sst s7  }
0x10: {  	[smem:$0x3FB6] =	sst s8  }
0x11: {  	[smem:$0x3FB7] =	sst s9;
	s0 =	simm.s32 @!p0 $0x0  }
0x12: {  	s1 =	sld [smem:$0x3F9D];
	s0 =	simm.s32 @p0 $0x1  }
0x13: {  	[smem:$0x3FB8] =	sst s0;
	s0 =	simm.s32 @!p1 $0x0  }
0x14: {  	s2 =	sld [smem:$0x3F9C];
	s0 =	simm.s32 @p1 $0x1  }
0x15: {  	[smem:$0x3FB9] =	sst s0;
	s0 =	simm.s32 @!p2 $0x0  }
0x16: {  	s3 =	sld [smem:$0x3FDB];
	s0 =	simm.s32 @p2 $0x1  }
0x17: {  	s4 =	simm.s32 $0x1BF5;
	[smem:$0x3FBB] =	sst s0  }
0x18: {  	s0 =	sld [smem:$0x3F9E];
	_ =	swait.ge [sflag:s4], $0x0  }
0x19: {  	s7 =	sld [smem:$0x3F9F]  }
0x1a: {  	s8 =	sadd.s32 $0xFFFFE003, lr  }
0x1b: {  	s9 =	sadd.s32 $0xFFFFFEF7, lr;
	s5 =	simm.s32 $0xFFFFFFFF;
	p2 =	slt.u32 s8, $0xFFFFF086  }
0x1c: {  	p1 =	slt.u32 s9, $0xF7A;
	s5 =	simm.s32 @!p2 $0x0  }
0x1d: {  	s5 =	simm.s32 @p1 $0x1;
	p0 =	seq.s32 s7, s2  }
0x1e: {  	s7 =	smul.u32 @!p0 $0xF7A, s2;
	p2 =	seq.s32 @!p0 s5, $0x0  }
0x1f: {  	s9 =	smul.u32 $0xF7A, s1;
	s8 =	simm.s32 @!p0 $0x1BF5;
	p2 =	por !p2, p0  }
0x20: {  	[sflag:s8] =	ssyncset.s32 @!p0 $0xFFFFF086;
	s6 =	sadd.s32 @!p0 s3, s7;
	s7 =	simm.s32 @!p0 $0x108  }
0x21: {  	s3 =	sadd.s32 s3, s9;
	s6 =	sadd.s32 @!p0 $0x88, s6;
	s7 =	simm.s32 @p2 $0x1082  }
0x22: {  	[simem:s7], [sflag:s8] =	dma.local @!p0 [hbm:s6], $0xF7A  }
0x23: {  	s9 =	sor.u32 $0xD0000000, s2;
	s6 =	simm.s32 $0x108;
	_ =	swait.ge @!p0 [sflag:s8], $0x0  }
0x24: {  	s3 =	sadd.s32 $0x88, s3;
	s6 =	simm.s32 @!p1 $0x1082;
	[sflag:s4] =	ssyncset.s32 $0xFFFFF086  }
0x25: {  	[simem:s6], [sflag:s4] =	dma.local [hbm:s3], $0xF7A  }
0x26: {  	[smem:$0x3F9F] =	sst s1;
	(tag) =	ssettag s2;
	_ =	strace s9  }
0x27: {  	s1 =	sld [smem:$0x3FAF]  }
0x28: {  	s2 =	sld [smem:$0x3FB0]  }
0x29: {  	s4 =	sld [smem:$0x3FB2]  }
0x2a: {  	p0 =	seq.s32 s5, $0x0;
	s5 =	sld [smem:$0x3FB3]  }
0x2b: {  	s6 =	sld [smem:$0x3FB4]  }
0x2c: {  	s7 =	sld [smem:$0x3FB5]  }
0x2d: {  	s3 =	simm.s32 $0x108;
	s8 =	sld [smem:$0x3FB6]  }
0x2e: {  	s3 =	simm.s32 @!p0 $0x1082;
	s9 =	sld [smem:$0x3FB7]  }
0x2f: {  	lr =	sadd.s32 s0, s3;
	s0 =	sld [smem:$0x3FAE]  }
0x30: {  	s3 =	sld [smem:$0x3FB1]  }
0x31: {  	[smem:$0x3FBA] =	sst s10  }
0x32: {  	s10 =	sld [smem:$0x3FB8];
	_ =	sdelay $0x3  }
0x33: {  	p0 =	seq.s32 s10, $0x1;
	s10 =	sld [smem:$0x3FBA];
	_ =	sdelay $0x3  }
0x34: {  	[smem:$0x3FBA] =	sst s10  }
0x35: {  	s10 =	sld [smem:$0x3FB9];
	_ =	sdelay $0x3  }
0x36: {  	p1 =	seq.s32 s10, $0x1;
	s10 =	sld [smem:$0x3FBA];
	_ =	sdelay $0x3  }
0x37: {  	[smem:$0x3FBA] =	sst s10  }
0x38: {  	s10 =	sld [smem:$0x3FBB]  }
0x39: {  	_ = 	snop;
	(pc) =	sbr.ind lr, $3  }
0x3a: {  	_ = 	snop  }
0x3b: {  	_ = 	snop  }
0x3c: {  	p2 =	seq.s32 s10, $0x1;
	s10 =	sld [smem:$0x3FBA]  }
0x3d: {  	_ =	shalt  }
0x3e: {  	_ =	shalt  }
0x3f: {  	_ =	shalt  }
0x40: {  	_ =	shalt  }
0x41: {  	_ =	shalt  }
0x42: {  	_ =	shalt  }
0x43: {  	_ =	shalt  }
0x44: {  	_ =	shalt  }
0x45: {  	_ =	shalt  }
0x46: {  	_ =	shalt  }
0x47: {  	_ =	shalt  }
0x48: {  	_ =	shalt  }
0x49: {  	_ =	shalt  }
0x4a: {  	_ =	shalt  }
0x4b: {  	_ =	shalt  }
0x4c: {  	_ =	shalt  }
0x4d: {  	_ =	shalt  }
0x4e: {  	_ =	shalt  }
0x4f: {  	_ =	shalt  }
0x50: {  	_ =	shalt  }
0x51: {  	_ =	shalt  }
0x52: {  	_ =	shalt  }
0x53: {  	_ =	shalt  }
0x54: {  	_ =	shalt  }
0x55: {  	_ =	shalt  }
0x56: {  	_ =	shalt  }
0x57: {  	_ =	shalt  }
0x58: {  	_ =	shalt  }
0x59: {  	_ =	shalt  }
0x5a: {  	_ =	shalt  }
0x5b: {  	_ =	shalt  }
0x5c: {  	_ =	shalt  }
0x5d: {  	_ =	shalt  }
0x5e: {  	_ =	shalt  }
0x5f: {  	_ =	shalt  }
0x60: {  	_ =	shalt  }
0x61: {  	_ =	shalt  }
0x62: {  	_ =	shalt  }
0x63: {  	_ =	shalt  }
0x64: {  	_ =	shalt  }
0x65: {  	_ =	shalt  }
0x66: {  	_ =	shalt  }
0x67: {  	_ =	shalt  }
0x68: {  	_ =	shalt  }
0x69: {  	_ =	shalt  }
0x6a: {  	_ =	shalt  }
0x6b: {  	_ =	shalt  }
0x6c: {  	_ =	shalt  }
0x6d: {  	_ =	shalt  }
0x6e: {  	_ =	shalt  }
0x6f: {  	_ =	shalt  }
0x70: {  	_ =	shalt  }
0x71: {  	_ =	shalt  }
0x72: {  	_ =	shalt  }
0x73: {  	_ =	shalt  }
0x74: {  	_ =	shalt  }
0x75: {  	_ =	shalt  }
0x76: {  	_ =	shalt  }
0x77: {  	_ =	shalt  }
0x78: {  	_ =	shalt  }
0x79: {  	_ =	shalt  }
0x7a: {  	_ =	shalt  }
0x7b: {  	_ =	shalt  }
0x7c: {  	_ =	shalt  }
0x7d: {  	_ =	shalt  }
0x7e: {  	_ =	shalt  }
0x7f: {  	_ =	shalt  }
0x80: {  	_ =	shalt  }
0x81: {  	_ =	shalt  }
0x82: {  	_ =	shalt  }
0x83: {  	_ =	shalt  }
0x84: {  	_ =	shalt  }
0x85: {  	_ =	shalt  }
0x86: {  	_ =	shalt  }
0x87: {  	_ =	shalt  }
.Lfunc_end0:
.L_simem_size_0:
called_computation_lowered:
.L_overlay_start_0:
0x88: {  	s2 =	sld [smem:$0x3FD9]  }
0x89: {  	s3 =	sld [smem:$0x3FFE];
	_ =	sdelay $0x1  }
0x8a: {  	s1 =	srdreg.scid  }
0x8b: {  	s0 =	sand.u32 $0x1, s1  }
0x8c: {  	s17 =	sshll.u32 s0, $0xA;
	s2 =	sadd.s32 s3, s2  }
0x8d: {  	s2 =	sadd.s32 s2, s17  }
0x8e: {  	[smem:$0x3FC6] =	sst s2  }
0x8f: {  	_ = 	snop  }
0x90: {  	s2 =	sld [smem:$0x3FC9]  }
0x91: {  	s18 =	sld [smem:$0x3FC8];
	(tm) =	ssettm $0x1  }
0x92: {  	s4 =	sld [smem:$0x3FFB];
	_ =	sdelay $0x3  }
0x93: {  	_ =	strace s4  }
0x94: {  	s4 =	sld [smem:$0x3FFC];
	_ =	sdelay $0x3  }
0x95: {  	_ =	strace s4  }
0x96: {  	s4 =	sld [smem:$0x3FFD];
	_ =	sdelay $0x3  }
0x97: {  	_ =	strace s4  }
0x98: {  	_ =	strace $0x8FFFFFFF  }
0x99: {  	s19 =	sld [smem:$0x3FDB];
	_ =	sdelay $0x1  }
0x9a: {  	s5 =	simm.s32 $_scs_section_size  }
0x9b: {  	s6 =	simm.s32 $_size__tile_overlayer_lowered;
	s7 =	simm.s32 $_tile_overlayer_lowered  }
0x9c: {  	s22 =	simm.s32 $0x1BFF;
	s21 =	sshll.u32 s7, $0x1;
	s4 =	sadd.s32 s5, s19  }
0x9d: {  	s8 =	simm.s32 $0x0;
	s20 =	sshll.u32 s6, $0x1;
	s6 =	sadd.s32 s21, s4  }
0x9e: {  	[timem:s8], [sflag:s22] =	dma.local [hbm:s6], s20  }
0x9f: {  	_ =	swait.ge [sflag:s22], s20  }
0xa0: {  	s5 =	ssub.s32 $0x0, s20;
	[sflag:s22] =	ssyncset.done $0x0  }
0xa1: {  	[sflag:s22] =	ssyncadd.s32 s5;
	_ =	sdelay $0x1  }
0xa2: {  	s23 =	simm.s32 $0x1B8B  }
0xa3: {  	_ =	swait.ge [sflag:s23], $0x1  }
0xa4: {  	[sflag:s23] =	ssyncset.done $0x0  }
0xa5: {  	s25 =	simm.s32 $0x1B8E;
	s24 =	sld [smem:$0x3FFE];
	[sflag:s23] =	ssyncadd.s32 $0xFFFFFFFF  }
0xa6: {  	s26 =	simm.s32 $execute0_lowered;
	[smem:$0x3FD2] =	sst s25  }
0xa7: {  	s6 =	sshll.u32 s26, $0x1;
	_ =	strace $0x80000046;
	[dreg:$0x1] =	wrdreg $0xFFFFFFFF  }
0xa8: {  	s28 =	simm.s32 $_size_execute0_lowered;
	s4 =	sadd.s32 s4, s6;
	[dreg:$0x0] =	wrdreg $0x0  }
0xa9: {  	s6 =	sshll.u32 s28, $0x1;
	[dreg:$0x2] =	wrdreg s4  }
0xaa: {  	[dreg:$0x3] =	wrdreg s6  }
0xab: {  	[dreg:$0x4] =	wrdreg $0xC0  }
0xac: {  	_ =	task [dreg:s8], $0x5FFFF  }
0xad: {  	[dreg:$0x1] =	wrdreg $0xFFFFFFFF  }
0xae: {  	[dreg:$0x0] =	wrdreg $0x60  }
0xaf: {  	[dreg:$0x2] =	wrdreg s2  }
0xb0: {  	[dreg:$0x3] =	wrdreg s18  }
0xb1: {  	[dreg:$0x4] =	wrdreg s24  }
0xb2: {  	[dreg:$0x5] =	wrdreg $0x9  }
0xb3: {  	_ =	task.clear_ibuf [dreg:s8], $0x6FFFF;
	_ =	strace $0x90000046  }
0xb4: {  	s29 =	simm.s32 $0x9;
	_ =	strace $0x80000048  }
0xb5: {  	_ =	swait.ge [sflag:s29], $0x1  }
0xb6: {  	[sflag:s29] =	ssyncadd.s32 $0xFFFFFFFF  }
0xb7: {  	_ =	strace $0x90000048  }
0xb8: {  	_ =	sfence  }
0xb9: {  	s30 =	sld [smem:$0x0];
	_ =	sdelay $0x2  }
0xba: {  	s31 =	sshll.u32 s1, $0xD;
	s1 =	sshrl.u32 s1, $0x2  }
0xbb: {  	s3 =	sand.u32 $0x4000, s31;
	s1 =	sadd.s32 s1, s30  }
0xbc: {  	s0 =	sor.u32 s3, s0;
	s1 =	sshll.u32 s1, $0x11  }
0xbd: {  	s0 =	sor.u32 s1, s0  }
0xbe: {  	s0 =	sadd.s32 $0x8F2B, s0  }
0xbf: {  	[sflag:s0] =	ssyncadd.remote.s32 $0x1  }
0xc0: {  	_ =	sfence.sel $0xFFFF  }
0xc1: {  	[dreg:$0x0] =	wrdreg $0xFFFFFFFF;
	(pc) =	sbr.abs _section_cstart, $3  }
0xc2: {  	[dreg:$0x1] =	wrdreg $0xFFFFFFFF  }
0xc3: {  	_ =	task.clear_ibuf [dreg:s8], $0x2FFFF;
	_ =	strace $0x9FFFFFFF  }
0xc4: {  	(tm) =	ssettm $0x7FFFFFFF  }
0xc5: {  	_ =	shalt  }
tec
execute0_lowered:
.L_overlay_start_1:
0x0: {  	(tag) =	ssettag $0x1  }
0x1: {  	s8 =	rddreg [dreg:$0x0]  }
0x2: {  	s9 =	rddreg [dreg:$0x1]  }
0x3: {  	s3 =	rddreg [dreg:$0x2];
	s1 =	srdreg.scid  }
0x4: {  	s0 =	rddreg [dreg:$0x3];
	s2 =	simm.s32 $0x0;
	s12 =	simm.s32 $0x2  }
0x5: {  	s13 =	simm.s32 $0x3;
	s14 =	simm.s32 $0x0;
	s4 =	sand.u32 $0x1, s1  }
0x6: {  	[smem:$0x7FF] =	sst s2;
	s1 =	stileid.u32;
	s5 =	ssub.s32 $0x2, s4  }
0x7: {  	s6 =	sshll.u32 s1, $0xE;
	s4 =	sshll.u32 s4, $0xD;
	s7 =	sshrl.u32 s5, $0x1  }
0x8: {  	_ =	strace $0x80000047;
	s6 =	sor.u32 s4, s6;
	s30 =	ssub.s32 s5, s7  }
0x9: {  	s31 =	sadd.s32 s6, s3;
	s10 =	sor.u32 $0x1C0000, s6;
	s11 =	sor.u32 $0x1C1000, s6  }
0xa: {  	s3 =	smax.u32 s30, $0x1;
	s4 =	sadd.s32 $0x1400, s31;
	s5 =	sadd.s32 s8, s10  }
0xb: {  	s6 =	sadd.s32 s9, s10;
	s7 =	sadd.s32 $0x400, s31;
	s8 =	sadd.s32 s8, s11  }
0xc: {  	s9 =	sadd.s32 s9, s11;
	s10 =	simm.s32 $0x8000;
	s11 =	simm.s32 $0x1  }
.LBB2_1:
0xd: {  	[tilespmem:s2], [sflag:$0x1] =	stream.linear.gather [hbm4b:s5+s2], $0x8000, $0x38;
	[tilespmem:$0x10000] =	vst v63  }
0xe: {  	_ = 	snop  }
0xf: {  	[tilespmem:s10], [sflag:$0x2] =	stream.linear.gather [hbm4b:s6+s2], $0x8000, $0x38;
	[tilespmem:$0x10000] =	vst v63  }
0x10: {  	_ =	swait.ge [sflag:s11], $0x8000  }
0x11: {  	[sflag:s11] =	ssyncset.done $0x0  }
0x12: {  	[sflag:s11] =	ssyncadd.s32 $0xFFFF8000  }
0x13: {  	_ =	swait.ge [sflag:s12], $0x8000  }
0x14: {  	[sflag:s12] =	ssyncset.done $0x0  }
0x15: {  	s15 =	simm.s32 $0x0;
	[sflag:s12] =	ssyncadd.s32 $0xFFFF8000  }
.LBB2_2:
0x16: {  	s16 =	sshll.u32 s15, $0x9;
	s17 =	sshll.u32 s15, $0x7  }
0x17: {  	s18 =	simm.s32 $0x0;
	s16 =	sand.u32 $0x7000, s16;
	s17 =	sand.u32 $0x380, s17  }
0x18: {  	s31 =	sand.u32 $0xC00, s18;
	s16 =	sor.u32 s16, s17  }
0x19: {  	s18 =	sand.u32 $0x70, s18;
	s17 =	sor.u32 s31, s16  }
0x1a: {  	s17 =	sor.u32 s18, s17  }
0x1b: {  	v0 =	vld [tilespmem:s17+$0x8000]  }
0x1c: {  	v1 =	vld [tilespmem:s17+$0x0];
	_ =	sdelay $0x4  }
0x1d: {  	s18 =	simm.s32 $0x80;
	v0 =	vadd.f32 v0, v1  }
0x1e: {  	s19 =	simm.s32 $0x10;
	s21 =	sand.u32 $0xC00, s18  }
0x1f: {  	s20 =	sand.u32 $0x70, s19;
	s19 =	simm.s32 $0x20;
	s21 =	sor.u32 s21, s16;
	v0 =	vmul.f32 $5.000000000e-01, v0  }
.LBB2_3:
0x20: {  	p0 =	sne.s32 s19, $0x1F0;
	s20 =	sor.u32 s20, s21  }
0x21: {  	v1 =	vld [tilespmem:s20+$0x8000];
	[tilespmem:s17+$0x0] =	vst v0;
	s17 =	smov.u32 s20  }
0x22: {  	v0 =	vld [tilespmem:s17+$0x0];
	_ =	sdelay $0x2  }
.Ltmp0:
0x23: {  	(pc) =	sbr.rel @p0 .LBB2_3-.Ltmp0, $4  }
0x24: {  	_ = 	snop  }
0x25: {  	s18 =	sadd.s32 $0x80, s18;
	v0 =	vadd.f32 v1, v0  }
0x26: {  	s21 =	sand.u32 $0xC00, s18  }
0x27: {  	s20 =	sand.u32 $0x70, s19;
	s19 =	sadd.s32 $0x10, s19;
	s21 =	sor.u32 s21, s16;
	v0 =	vmul.f32 $5.000000000e-01, v0  }
0x28: {  	s16 =	sor.u32 s20, s21  }
0x29: {  	v1 =	vld [tilespmem:s16+$0x8000];
	[tilespmem:s17+$0x0] =	vst v0  }
0x2a: {  	v0 =	vld [tilespmem:s16+$0x0];
	_ =	sdelay $0x2  }
0x2b: {  	s15 =	sadd.s32 $0x1, s15  }
0x2c: {  	p0 =	sne.s32 s15, $0x40  }
.Ltmp1:
0x2d: {  	v0 =	vadd.f32 v1, v0;
	(pc) =	sbr.rel @p0 .LBB2_2-.Ltmp1, $3  }
0x2e: {  	_ = 	snop  }
0x2f: {  	v0 =	vmul.f32 $5.000000000e-01, v0;
	_ =	sdelay $0x1  }
0x30: {  	[tilespmem:s16+$0x0] =	vst v0  }
0x31: {  	s15 =	simm.s32 $0x0  }
0x32: {  	[hbm4b:s7+s15] =	stream.linear.scatter [tilespmem:s15], [sflag:$0x3], $0x8000, $0x38;
	[tilespmem:$0x10000] =	vst v63  }
0x33: {  	_ =	swait.ge [sflag:s13], $0x8000  }
0x34: {  	[sflag:s13] =	ssyncset.done $0x0  }
0x35: {  	[sflag:s13] =	ssyncadd.s32 $0xFFFF8000  }
0x36: {  	[tilespmem:s15], [sflag:$0x1] =	stream.linear.gather [hbm4b:s8+s15], $0x8000, $0x38;
	[tilespmem:$0x10000] =	vst v63  }
0x37: {  	_ = 	snop  }
0x38: {  	[tilespmem:s10], [sflag:$0x2] =	stream.linear.gather [hbm4b:s9+s15], $0x8000, $0x38;
	[tilespmem:$0x10000] =	vst v63  }
0x39: {  	_ =	swait.ge [sflag:s11], $0x8000  }
0x3a: {  	[sflag:s11] =	ssyncset.done $0x0  }
0x3b: {  	[sflag:s11] =	ssyncadd.s32 $0xFFFF8000  }
0x3c: {  	_ =	swait.ge [sflag:s12], $0x8000  }
0x3d: {  	[sflag:s12] =	ssyncset.done $0x0  }
0x3e: {  	s16 =	simm.s32 $0x0;
	[sflag:s12] =	ssyncadd.s32 $0xFFFF8000  }
.LBB2_6:
0x3f: {  	s17 =	sshll.u32 s16, $0x9;
	s18 =	sshll.u32 s16, $0x7  }
0x40: {  	s17 =	sand.u32 $0x7000, s17;
	s18 =	sand.u32 $0x380, s18  }
0x41: {  	s31 =	sand.u32 $0xC00, s15;
	s17 =	sor.u32 s17, s18  }
0x42: {  	s19 =	sand.u32 $0x70, s15;
	s18 =	sor.u32 s31, s17  }
0x43: {  	s18 =	sor.u32 s19, s18  }
0x44: {  	v0 =	vld [tilespmem:s18+$0x8000]  }
0x45: {  	v1 =	vld [tilespmem:s18+$0x0];
	_ =	sdelay $0x4  }
0x46: {  	s19 =	simm.s32 $0x80;
	v0 =	vadd.f32 v0, v1  }
0x47: {  	s20 =	simm.s32 $0x10;
	s22 =	sand.u32 $0xC00, s19  }
0x48: {  	s21 =	sand.u32 $0x70, s20;
	s20 =	simm.s32 $0x20;
	s22 =	sor.u32 s22, s17;
	v0 =	vmul.f32 $5.000000000e-01, v0  }
.LBB2_7:
0x49: {  	p0 =	sne.s32 s20, $0x1F0;
	s21 =	sor.u32 s21, s22  }
0x4a: {  	v1 =	vld [tilespmem:s21+$0x8000];
	[tilespmem:s18+$0x0] =	vst v0;
	s18 =	smov.u32 s21  }
0x4b: {  	v0 =	vld [tilespmem:s18+$0x0];
	_ =	sdelay $0x2  }
.Ltmp2:
0x4c: {  	(pc) =	sbr.rel @p0 .LBB2_7-.Ltmp2, $4  }
0x4d: {  	_ = 	snop  }
0x4e: {  	s19 =	sadd.s32 $0x80, s19;
	v0 =	vadd.f32 v1, v0  }
0x4f: {  	s22 =	sand.u32 $0xC00, s19  }
0x50: {  	s21 =	sand.u32 $0x70, s20;
	s20 =	sadd.s32 $0x10, s20;
	s22 =	sor.u32 s22, s17;
	v0 =	vmul.f32 $5.000000000e-01, v0  }
0x51: {  	s17 =	sor.u32 s21, s22  }
0x52: {  	v1 =	vld [tilespmem:s17+$0x8000];
	[tilespmem:s18+$0x0] =	vst v0  }
0x53: {  	v0 =	vld [tilespmem:s17+$0x0];
	_ =	sdelay $0x2  }
0x54: {  	s16 =	sadd.s32 $0x1, s16  }
0x55: {  	p0 =	sne.s32 s16, $0x40  }
.Ltmp3:
0x56: {  	v0 =	vadd.f32 v1, v0;
	(pc) =	sbr.rel @p0 .LBB2_6-.Ltmp3, $3  }
0x57: {  	_ = 	snop  }
0x58: {  	v0 =	vmul.f32 $5.000000000e-01, v0;
	_ =	sdelay $0x1  }
0x59: {  	[tilespmem:s17+$0x0] =	vst v0  }
0x5a: {  	s14 =	sadd.s32 $0x1, s14  }
0x5b: {  	p0 =	sne.s32 s14, s3  }
.Ltmp4:
0x5c: {  	_ = 	snop;
	(pc) =	sbr.rel @p0 .LBB2_1-.Ltmp4, $4  }
0x5d: {  	[hbm4b:s4+s2] =	stream.linear.scatter [tilespmem:s2], [sflag:$0x3], $0x8000, $0x38;
	[tilespmem:$0x10000] =	vst v63  }
0x5e: {  	_ =	swait.ge [sflag:s13], $0x8000  }
0x5f: {  	[sflag:s13] =	ssyncset.done $0x0  }
0x60: {  	[sflag:s13] =	ssyncadd.s32 $0xFFFF8000  }
0x61: {  	_ =	sfence.sel $0x180000  }
0x62: {  	[bflag:$0x0] =	sbarrier.arrive $0xFFFF  }
0x63: {  	p0 =	sne.s32 s1, $0x0;
	_ =	strace $0x90000047  }
0x64: {  	s0 =	sadd.s32 @!p0 $0x100000, s0;
	[bflag:$0x2] =	sbarrier.arrive $0xFFFF  }
0x65: {  	[sflag:s0] =	ssyncadd.tile.s32 @!p0 $0x1;
	_ =	shalt  }
.Lfunc_end2:
_tile_overlayer_lowered:
.L_overlay_start_2:
0x66: {  	(tag) =	ssettag $0x2  }
0x67: {  	s0 =	rddreg [dreg:$0x0];
	s2 =	stileid.u32  }
0x68: {  	s1 =	rddreg [dreg:$0x1];
	p0 =	sne.s32 s2, $0x0  }
0x69: {  	s3 =	rddreg [dreg:$0x2];
	[bflag:$0x3] =	sbarrier.arrive $0xFFFF;
	s2 =	simm.s32 @!p0 $0x1C03  }
0x6a: {  	[timem:s3], [sflag:s2] =	dma.local @!p0 [hbm:s0], s1  }
0x6b: {  	s0 =	simm.s32 @!p0 $0x3  }
0x6c: {  	_ =	swait.ge @!p0 [sflag:s0], s1  }
0x6d: {  	s1 =	ssub.s32 @!p0 $0x0, s1;
	[sflag:s0] =	ssyncset.done @!p0 $0x0  }
0x6e: {  	[sflag:s0] =	ssyncadd.s32 @!p0 s1  }
0x6f: {  	[bflag:$0x3] =	sbarrier.arrive $0xFFFF  }
0x70: {  	_ =	shalt  }

</sc_bundles>
